<compile_context>
chip_gen: v7x
topology: tpu7x:2x2x1
jax: 0.10.2.dev20260603
libtpu: 0.0.44.dev20260713+nightly
codegen_flags: <defaults>
</compile_context>

<pallas_src>
import functools

import jax
import jax.numpy as jnp
from jax import lax
from jax.experimental import pallas as pl
from jax.experimental.pallas import tpu as pltpu
from jax.experimental.pallas import tpu_sc as plsc

_LANES = 16


def _make_sc_kernel(B, N, chunk):
    num_cores = 1
    mesh = plsc.VectorSubcoreMesh(
        core_axis_name="c",
        subcore_axis_name="s",
        num_cores=num_cores,
        num_subcores=8,
    )
    steps = chunk // _LANES

    @functools.partial(
        pl.kernel,
        mesh=mesh,
        out_type=jax.ShapeDtypeStruct((B,), jnp.float32),
        scratch_types=[
            pltpu.VMEM((chunk,), jnp.float32),
            pltpu.VMEM((N,), jnp.float32),
            pltpu.VMEM((chunk,), jnp.float32),
            pltpu.SemaphoreType.DMA,
            pltpu.SemaphoreType.DMA,
        ],
        compiler_params=pltpu.CompilerParams(needs_layout_passes=False),
    )
    def sc_kernel(ts_hbm, table_hbm, out_hbm, ts_v, tab_v, out_v, sem_a, sem_b):
        wid = lax.axis_index("s") * num_cores + lax.axis_index("c")
        base = wid * chunk
        cp_tab = pltpu.async_copy(table_hbm, tab_v, sem_a)
        cp_ts = pltpu.async_copy(ts_hbm.at[pl.ds(base, chunk)], ts_v, sem_b)
        cp_tab.wait()
        cp_ts.wait()

        @plsc.parallel_loop(0, steps, 1, unroll=8)
        def _(i):
            t = ts_v[pl.ds(i * _LANES, _LANES)]
            idx = t * jnp.float32(N - 1)
            lo = idx.astype(jnp.int32)
            w = idx - lo.astype(jnp.float32)
            hi = jnp.minimum(lo + 1, N - 1)
            lov = plsc.load_gather(tab_v, [lo])
            hiv = plsc.load_gather(tab_v, [hi])
            out_v[pl.ds(i * _LANES, _LANES)] = (1.0 - w) * lov + w * hiv

        pltpu.sync_copy(out_v, out_hbm.at[pl.ds(base, chunk)])

    return sc_kernel


@jax.jit
def kernel(timesteps, noise_levels):
    B = timesteps.shape[0]
    N = noise_levels.shape[0]
    num_workers = 8
    chunk = B // num_workers
    out = _make_sc_kernel(B, N, chunk)(timesteps.reshape(B), noise_levels)
    return out.reshape(B, 1)

# --- scband reference (transcript-rebuilt; emitter-appended) ---
"""Pipeline reference for scband-poseidon-noise-scheduler-29592324669616 (READ-ONLY COPY).

The authoritative reference and input builder live on the scoring server;
editing this copy changes nothing except your own understanding.
"""

import jax, jax.numpy as jnp
import numpy as np

NOISE_LEVELS = [50.0, 30.0, 20.0, 12.0, 8.0, 5.0, 3.0, 2.0, 1.4, 1.0, 0.7, 0.5, 0.35, 0.25, 0.18, 0.12, 0.08, 0.05, 0.035, 0.025, 0.018, 0.012, 0.008, 0.005, 0.0035, 0.0025, 0.0018, 0.0012, 0.0008, 0.0005, 0.0003, 0.0002]


def setup_inputs(seed: int = 0) -> dict:
    key = jax.random.key(seed)
    k1 = jax.random.fold_in(key, 1)
    timesteps = jax.random.uniform(k1, (16384, 1), dtype=jnp.float32)
    noise_levels = jnp.asarray(NOISE_LEVELS, dtype=jnp.float32)
    return {"timesteps": timesteps, "noise_levels": noise_levels}


def reference(timesteps, noise_levels):
    # Faithful translation of PoseidonNoiseScheduler.forward
    assert timesteps.ndim == 2 and timesteps.shape[1] == 1
    N = noise_levels.shape[0]
    indices = timesteps * (N - 1)
    lower_idx = jnp.floor(indices).astype(jnp.int32)
    upper_idx = jnp.minimum(jnp.ceil(indices).astype(jnp.int32), N - 1)
    lower_values = noise_levels[lower_idx]
    upper_values = noise_levels[upper_idx]
    weights = indices - lower_idx.astype(jnp.float32)
    return (1 - weights) * lower_values + weights * upper_values

if __name__ == "__main__":
    import jax
    _d = setup_inputs()
    print(jax.jit(kernel)(*tuple(_d.values())))

</pallas_src>

<mosaic_0001>
#map = affine_map<(d0, d1) -> (0)>
module attributes {stable_mosaic.version = 14 : i64} {
  func.func @sc_kernel(%arg0: i32, %arg1: i32, %arg2: memref<16384xf32, #tpu.memory_space<hbm>>, %arg3: memref<32xf32, #tpu.memory_space<hbm>>, %arg4: memref<16384xf32, #tpu.memory_space<hbm>>, %arg5: memref<2048xf32, #tpu.memory_space<vmem>>, %arg6: memref<32xf32, #tpu.memory_space<vmem>>, %arg7: memref<2048xf32, #tpu.memory_space<vmem>>, %arg8: memref<!tpu.dma_semaphore, #tpu.memory_space<semaphore_mem>>, %arg9: memref<!tpu.dma_semaphore, #tpu.memory_space<semaphore_mem>>) attributes {dimension_semantics = [#tpu.dimension_semantics<core_parallel>, #tpu.dimension_semantics<subcore_parallel>], iteration_bounds = array<i64: 1, 8>, scalar_prefetch = 0 : i64, scratch_operands = 5 : i64, tpu.core_type = #tpu.core_type<sc_vector_subcore>, window_params = [{transform_indices = #map}, {transform_indices = #map}, {transform_indices = #map}]} {
    %mul3A = arith.constant 1 : i32
    %mul3A_0 = arith.muli %arg1, %mul3A : i32
    %add3A = arith.addi %mul3A_0, %arg0 : i32
    %mul3A_1 = arith.constant 2048 : i32
    %mul3A_2 = arith.muli %add3A, %mul3A_1 : i32
    tpu.enqueue_dma source(%arg3 : memref<32xf32, #tpu.memory_space<hbm>>) target(%arg6 : memref<32xf32, #tpu.memory_space<vmem>>) target_semaphore(%arg8 : memref<!tpu.dma_semaphore, #tpu.memory_space<semaphore_mem>>)
    %dma_start3A = tpu.memref_slice %arg2[%mul3A_2] : memref<16384xf32, #tpu.memory_space<hbm>> -> memref<2048xf32, #tpu.memory_space<hbm>>
    %dma_start3A_3 = tpu.memref_slice %arg2[%mul3A_2] : memref<16384xf32, #tpu.memory_space<hbm>> -> memref<2048xf32, #tpu.memory_space<hbm>>
    tpu.enqueue_dma source(%dma_start3A_3 : memref<2048xf32, #tpu.memory_space<hbm>>) target(%arg5 : memref<2048xf32, #tpu.memory_space<vmem>>) target_semaphore(%arg9 : memref<!tpu.dma_semaphore, #tpu.memory_space<semaphore_mem>>)
    tpu.wait_dma2 semaphore(%arg8 : memref<!tpu.dma_semaphore, #tpu.memory_space<semaphore_mem>>) src(%arg3 : memref<32xf32, #tpu.memory_space<hbm>>) dst(%arg6 : memref<32xf32, #tpu.memory_space<vmem>>)
    %dma_wait3A = tpu.memref_slice %arg2[%mul3A_2] : memref<16384xf32, #tpu.memory_space<hbm>> -> memref<2048xf32, #tpu.memory_space<hbm>>
    %dma_wait3A_4 = tpu.memref_slice %arg2[%mul3A_2] : memref<16384xf32, #tpu.memory_space<hbm>> -> memref<2048xf32, #tpu.memory_space<hbm>>
    tpu.wait_dma2 semaphore(%arg9 : memref<!tpu.dma_semaphore, #tpu.memory_space<semaphore_mem>>) src(%dma_wait3A_4 : memref<2048xf32, #tpu.memory_space<hbm>>) dst(%arg5 : memref<2048xf32, #tpu.memory_space<vmem>>)
    %parallel_loop3A = arith.constant 0 : i32
    %parallel_loop3A_5 = arith.constant 128 : i32
    %parallel_loop3A_6 = arith.constant 1 : i32
    scf.for %parallel_loop3A_7 = %parallel_loop3A to %parallel_loop3A_5 step %parallel_loop3A_6  : i32 {
      %parallel_loop3A_8 = arith.constant 16 : i32
      %parallel_loop3A_9 = arith.muli %parallel_loop3A_7, %parallel_loop3A_8 : i32
      %parallel_loop3A_10 = arith.index_cast %parallel_loop3A_9 : i32 to index
      %parallel_loop3A_11 = tpu.vector_load %arg5[%parallel_loop3A_10] {strides = array<i32>} : memref<2048xf32, #tpu.memory_space<vmem>>, vector<16xf32>,
      %parallel_loop3A_12 = arith.constant 3.100000e+01 : f32
      %parallel_loop3A_13 = vector.broadcast %parallel_loop3A_12 : f32 to vector<16xf32>
      %parallel_loop3A_14 = arith.mulf %parallel_loop3A_11, %parallel_loop3A_13 : vector<16xf32>
      %parallel_loop3A_15 = arith.fptosi %parallel_loop3A_14 : vector<16xf32> to vector<16xi32>
      %parallel_loop3A_16 = arith.sitofp %parallel_loop3A_15 : vector<16xi32> to vector<16xf32>
      %parallel_loop3A_17 = arith.subf %parallel_loop3A_14, %parallel_loop3A_16 : vector<16xf32>
      %parallel_loop3A_18 = arith.constant 1 : i32
      %parallel_loop3A_19 = vector.broadcast %parallel_loop3A_18 : i32 to vector<16xi32>
      %parallel_loop3A_20 = arith.addi %parallel_loop3A_15, %parallel_loop3A_19 : vector<16xi32>
      %parallel_loop3A_21 = arith.constant 31 : i32
      %parallel_loop3A_22 = vector.broadcast %parallel_loop3A_21 : i32 to vector<16xi32>
      %parallel_loop3A_23 = arith.minsi %parallel_loop3A_20, %parallel_loop3A_22 : vector<16xi32>
      %parallel_loop3A_24 = tpu.vector_load_idx %arg6[%parallel_loop3A_15] : memref<32xf32, #tpu.memory_space<vmem>>[vector<16xi32>], vector<16xf32>,
      %parallel_loop3A_25 = tpu.vector_load_idx %arg6[%parallel_loop3A_23] : memref<32xf32, #tpu.memory_space<vmem>>[vector<16xi32>], vector<16xf32>,
      %parallel_loop3A_26 = arith.constant 1.000000e+00 : f32
      %parallel_loop3A_27 = vector.broadcast %parallel_loop3A_26 : f32 to vector<16xf32>
      %parallel_loop3A_28 = arith.subf %parallel_loop3A_27, %parallel_loop3A_17 : vector<16xf32>
      %parallel_loop3A_29 = arith.mulf %parallel_loop3A_28, %parallel_loop3A_24 : vector<16xf32>
      %parallel_loop3A_30 = arith.mulf %parallel_loop3A_17, %parallel_loop3A_25 : vector<16xf32>
      %parallel_loop3A_31 = arith.addf %parallel_loop3A_29, %parallel_loop3A_30 : vector<16xf32>
      %parallel_loop3A_32 = arith.constant 16 : i32
      %parallel_loop3A_33 = arith.muli %parallel_loop3A_7, %parallel_loop3A_32 : i32
      %parallel_loop3A_34 = arith.index_cast %parallel_loop3A_33 : i32 to index
      %parallel_loop3A_35 = tpu.vector_load %arg7[%parallel_loop3A_34] {strides = array<i32>} : memref<2048xf32, #tpu.memory_space<vmem>>, vector<16xf32>,
      tpu.vector_store %arg7[%parallel_loop3A_34], %parallel_loop3A_31 {strides = array<i32>} : memref<2048xf32, #tpu.memory_space<vmem>>, vector<16xf32>,
    } {sc.loop_unroll_factor = 8 : i64, sc.parallel_access}
    "tpu.region"() ({
      %run_scoped3A = tpu.sem_alloc : memref<!tpu.dma_semaphore, #tpu.memory_space<semaphore_mem>>
      %dma_start3A_7 = tpu.memref_slice %arg4[%mul3A_2] : memref<16384xf32, #tpu.memory_space<hbm>> -> memref<2048xf32, #tpu.memory_space<hbm>>
      %dma_start3A_8 = tpu.memref_slice %arg4[%mul3A_2] : memref<16384xf32, #tpu.memory_space<hbm>> -> memref<2048xf32, #tpu.memory_space<hbm>>
      tpu.enqueue_dma source(%arg7 : memref<2048xf32, #tpu.memory_space<vmem>>) target(%dma_start3A_8 : memref<2048xf32, #tpu.memory_space<hbm>>) target_semaphore(%run_scoped3A : memref<!tpu.dma_semaphore, #tpu.memory_space<semaphore_mem>>)
      %dma_wait3A_9 = tpu.memref_slice %arg4[%mul3A_2] : memref<16384xf32, #tpu.memory_space<hbm>> -> memref<2048xf32, #tpu.memory_space<hbm>>
      %dma_wait3A_10 = tpu.memref_slice %arg4[%mul3A_2] : memref<16384xf32, #tpu.memory_space<hbm>> -> memref<2048xf32, #tpu.memory_space<hbm>>
      tpu.wait_dma2 semaphore(%run_scoped3A : memref<!tpu.dma_semaphore, #tpu.memory_space<semaphore_mem>>) src(%arg7 : memref<2048xf32, #tpu.memory_space<vmem>>) dst(%dma_wait3A_10 : memref<2048xf32, #tpu.memory_space<hbm>>)
      tpu.yield
    }) : () -> ()
    return
  }
}

</mosaic_0001>

<sc_bundles>
// kernel: kernel.3.cloned.1.call-start
scs
__scs_entry_jumppad:
0x0: {  	(pc) =	sbr.rel $0x88, $3  }
0x1: {  	(tag) =	ssettag $0x0;
	lr =	simm.s32 $0x1  }
0x2: {  	[smem:$0x3F9F] =	sst lr;
	_ =	strace $0xD0000000  }
0x3: {  	_ = 	snop  }
0x4: {  	_ = 	snop  }
0x5: {  	_ = 	snop  }
0x6: {  	_ = 	snop  }
0x7: {  	_ = 	snop  }
__scs_overlays_trampoline_lowered:
0x8: {  	[smem:$0x3FAE] =	sst s0  }
0x9: {  	[smem:$0x3FAF] =	sst s1  }
0xa: {  	[smem:$0x3FB0] =	sst s2  }
0xb: {  	[smem:$0x3FB1] =	sst s3  }
0xc: {  	[smem:$0x3FB2] =	sst s4  }
0xd: {  	[smem:$0x3FB3] =	sst s5  }
0xe: {  	[smem:$0x3FB4] =	sst s6  }
0xf: {  	[smem:$0x3FB5] =	sst s7  }
0x10: {  	[smem:$0x3FB6] =	sst s8  }
0x11: {  	[smem:$0x3FB7] =	sst s9;
	s0 =	simm.s32 @!p0 $0x0  }
0x12: {  	s1 =	sld [smem:$0x3F9D];
	s0 =	simm.s32 @p0 $0x1  }
0x13: {  	[smem:$0x3FB8] =	sst s0;
	s0 =	simm.s32 @!p1 $0x0  }
0x14: {  	s2 =	sld [smem:$0x3F9C];
	s0 =	simm.s32 @p1 $0x1  }
0x15: {  	[smem:$0x3FB9] =	sst s0;
	s0 =	simm.s32 @!p2 $0x0  }
0x16: {  	s3 =	sld [smem:$0x3FDB];
	s0 =	simm.s32 @p2 $0x1  }
0x17: {  	s4 =	simm.s32 $0x1BF5;
	[smem:$0x3FBB] =	sst s0  }
0x18: {  	s0 =	sld [smem:$0x3F9E];
	_ =	swait.ge [sflag:s4], $0x0  }
0x19: {  	s7 =	sld [smem:$0x3F9F]  }
0x1a: {  	s8 =	sadd.s32 $0xFFFFE003, lr  }
0x1b: {  	s9 =	sadd.s32 $0xFFFFFEF7, lr;
	s5 =	simm.s32 $0xFFFFFFFF;
	p2 =	slt.u32 s8, $0xFFFFF086  }
0x1c: {  	p1 =	slt.u32 s9, $0xF7A;
	s5 =	simm.s32 @!p2 $0x0  }
0x1d: {  	s5 =	simm.s32 @p1 $0x1;
	p0 =	seq.s32 s7, s2  }
0x1e: {  	s7 =	smul.u32 @!p0 $0xF7A, s2;
	p2 =	seq.s32 @!p0 s5, $0x0  }
0x1f: {  	s9 =	smul.u32 $0xF7A, s1;
	s8 =	simm.s32 @!p0 $0x1BF5;
	p2 =	por !p2, p0  }
0x20: {  	[sflag:s8] =	ssyncset.s32 @!p0 $0xFFFFF086;
	s6 =	sadd.s32 @!p0 s3, s7;
	s7 =	simm.s32 @!p0 $0x108  }
0x21: {  	s3 =	sadd.s32 s3, s9;
	s6 =	sadd.s32 @!p0 $0x88, s6;
	s7 =	simm.s32 @p2 $0x1082  }
0x22: {  	[simem:s7], [sflag:s8] =	dma.local @!p0 [hbm:s6], $0xF7A  }
0x23: {  	s9 =	sor.u32 $0xD0000000, s2;
	s6 =	simm.s32 $0x108;
	_ =	swait.ge @!p0 [sflag:s8], $0x0  }
0x24: {  	s3 =	sadd.s32 $0x88, s3;
	s6 =	simm.s32 @!p1 $0x1082;
	[sflag:s4] =	ssyncset.s32 $0xFFFFF086  }
0x25: {  	[simem:s6], [sflag:s4] =	dma.local [hbm:s3], $0xF7A  }
0x26: {  	[smem:$0x3F9F] =	sst s1;
	(tag) =	ssettag s2;
	_ =	strace s9  }
0x27: {  	s1 =	sld [smem:$0x3FAF]  }
0x28: {  	s2 =	sld [smem:$0x3FB0]  }
0x29: {  	s4 =	sld [smem:$0x3FB2]  }
0x2a: {  	p0 =	seq.s32 s5, $0x0;
	s5 =	sld [smem:$0x3FB3]  }
0x2b: {  	s6 =	sld [smem:$0x3FB4]  }
0x2c: {  	s7 =	sld [smem:$0x3FB5]  }
0x2d: {  	s3 =	simm.s32 $0x108;
	s8 =	sld [smem:$0x3FB6]  }
0x2e: {  	s3 =	simm.s32 @!p0 $0x1082;
	s9 =	sld [smem:$0x3FB7]  }
0x2f: {  	lr =	sadd.s32 s0, s3;
	s0 =	sld [smem:$0x3FAE]  }
0x30: {  	s3 =	sld [smem:$0x3FB1]  }
0x31: {  	[smem:$0x3FBA] =	sst s10  }
0x32: {  	s10 =	sld [smem:$0x3FB8];
	_ =	sdelay $0x3  }
0x33: {  	p0 =	seq.s32 s10, $0x1;
	s10 =	sld [smem:$0x3FBA];
	_ =	sdelay $0x3  }
0x34: {  	[smem:$0x3FBA] =	sst s10  }
0x35: {  	s10 =	sld [smem:$0x3FB9];
	_ =	sdelay $0x3  }
0x36: {  	p1 =	seq.s32 s10, $0x1;
	s10 =	sld [smem:$0x3FBA];
	_ =	sdelay $0x3  }
0x37: {  	[smem:$0x3FBA] =	sst s10  }
0x38: {  	s10 =	sld [smem:$0x3FBB]  }
0x39: {  	_ = 	snop;
	(pc) =	sbr.ind lr, $3  }
0x3a: {  	_ = 	snop  }
0x3b: {  	_ = 	snop  }
0x3c: {  	p2 =	seq.s32 s10, $0x1;
	s10 =	sld [smem:$0x3FBA]  }
0x3d: {  	_ =	shalt  }
0x3e: {  	_ =	shalt  }
0x3f: {  	_ =	shalt  }
0x40: {  	_ =	shalt  }
0x41: {  	_ =	shalt  }
0x42: {  	_ =	shalt  }
0x43: {  	_ =	shalt  }
0x44: {  	_ =	shalt  }
0x45: {  	_ =	shalt  }
0x46: {  	_ =	shalt  }
0x47: {  	_ =	shalt  }
0x48: {  	_ =	shalt  }
0x49: {  	_ =	shalt  }
0x4a: {  	_ =	shalt  }
0x4b: {  	_ =	shalt  }
0x4c: {  	_ =	shalt  }
0x4d: {  	_ =	shalt  }
0x4e: {  	_ =	shalt  }
0x4f: {  	_ =	shalt  }
0x50: {  	_ =	shalt  }
0x51: {  	_ =	shalt  }
0x52: {  	_ =	shalt  }
0x53: {  	_ =	shalt  }
0x54: {  	_ =	shalt  }
0x55: {  	_ =	shalt  }
0x56: {  	_ =	shalt  }
0x57: {  	_ =	shalt  }
0x58: {  	_ =	shalt  }
0x59: {  	_ =	shalt  }
0x5a: {  	_ =	shalt  }
0x5b: {  	_ =	shalt  }
0x5c: {  	_ =	shalt  }
0x5d: {  	_ =	shalt  }
0x5e: {  	_ =	shalt  }
0x5f: {  	_ =	shalt  }
0x60: {  	_ =	shalt  }
0x61: {  	_ =	shalt  }
0x62: {  	_ =	shalt  }
0x63: {  	_ =	shalt  }
0x64: {  	_ =	shalt  }
0x65: {  	_ =	shalt  }
0x66: {  	_ =	shalt  }
0x67: {  	_ =	shalt  }
0x68: {  	_ =	shalt  }
0x69: {  	_ =	shalt  }
0x6a: {  	_ =	shalt  }
0x6b: {  	_ =	shalt  }
0x6c: {  	_ =	shalt  }
0x6d: {  	_ =	shalt  }
0x6e: {  	_ =	shalt  }
0x6f: {  	_ =	shalt  }
0x70: {  	_ =	shalt  }
0x71: {  	_ =	shalt  }
0x72: {  	_ =	shalt  }
0x73: {  	_ =	shalt  }
0x74: {  	_ =	shalt  }
0x75: {  	_ =	shalt  }
0x76: {  	_ =	shalt  }
0x77: {  	_ =	shalt  }
0x78: {  	_ =	shalt  }
0x79: {  	_ =	shalt  }
0x7a: {  	_ =	shalt  }
0x7b: {  	_ =	shalt  }
0x7c: {  	_ =	shalt  }
0x7d: {  	_ =	shalt  }
0x7e: {  	_ =	shalt  }
0x7f: {  	_ =	shalt  }
0x80: {  	_ =	shalt  }
0x81: {  	_ =	shalt  }
0x82: {  	_ =	shalt  }
0x83: {  	_ =	shalt  }
0x84: {  	_ =	shalt  }
0x85: {  	_ =	shalt  }
0x86: {  	_ =	shalt  }
0x87: {  	_ =	shalt  }
.Lfunc_end0:
.L_simem_size_0:
called_computation_lowered:
.L_overlay_start_0:
0x88: {  	s0 =	sld [smem:$0x3FD9]  }
0x89: {  	s1 =	sld [smem:$0x3FFE];
	_ =	sdelay $0x3  }
0x8a: {  	s0 =	sadd.s32 s1, s0  }
0x8b: {  	[smem:$0x3FC6] =	sst s0  }
0x8c: {  	_ = 	snop  }
0x8d: {  	s0 =	sld [smem:$0x3FC9]  }
0x8e: {  	s17 =	sld [smem:$0x3FC8]  }
0x8f: {  	s2 =	sld [smem:$0x3FD0];
	(tm) =	ssettm $0x1  }
0x90: {  	s3 =	sld [smem:$0x3FFB];
	_ =	sdelay $0x3  }
0x91: {  	_ =	strace s3  }
0x92: {  	s3 =	sld [smem:$0x3FFC];
	_ =	sdelay $0x3  }
0x93: {  	_ =	strace s3  }
0x94: {  	s3 =	sld [smem:$0x3FFD];
	_ =	sdelay $0x3  }
0x95: {  	_ =	strace s3  }
0x96: {  	_ =	strace $0x8FFFFFFF  }
0x97: {  	s18 =	sld [smem:$0x3FDB];
	_ =	sdelay $0x1  }
0x98: {  	s4 =	simm.s32 $_scs_section_size  }
0x99: {  	s5 =	simm.s32 $_size__tile_overlayer_lowered;
	s6 =	simm.s32 $_tile_overlayer_lowered  }
0x9a: {  	s21 =	simm.s32 $0x1BFF;
	s20 =	sshll.u32 s6, $0x1;
	s3 =	sadd.s32 s4, s18  }
0x9b: {  	s7 =	simm.s32 $0x0;
	s19 =	sshll.u32 s5, $0x1;
	s5 =	sadd.s32 s20, s3  }
0x9c: {  	[timem:s7], [sflag:s21] =	dma.local [hbm:s5], s19  }
0x9d: {  	_ =	swait.ge [sflag:s21], s19  }
0x9e: {  	s4 =	ssub.s32 $0x0, s19;
	[sflag:s21] =	ssyncset.done $0x0  }
0x9f: {  	[sflag:s21] =	ssyncadd.s32 s4;
	_ =	sdelay $0x1  }
0xa0: {  	s22 =	simm.s32 $0x1B8B  }
0xa1: {  	_ =	swait.ge [sflag:s22], $0x1  }
0xa2: {  	[sflag:s22] =	ssyncset.done $0x0  }
0xa3: {  	s23 =	simm.s32 $0x1B8E;
	[sflag:s22] =	ssyncadd.s32 $0xFFFFFFFF  }
0xa4: {  	s24 =	simm.s32 $execute0_lowered;
	[smem:$0x3FD2] =	sst s23  }
0xa5: {  	s4 =	sshll.u32 s24, $0x1;
	_ =	strace $0x80000046;
	[dreg:$0x1] =	wrdreg $0xFFFFFFFF  }
0xa6: {  	s25 =	simm.s32 $_size_execute0_lowered;
	s3 =	sadd.s32 s3, s4;
	[dreg:$0x0] =	wrdreg $0x0  }
0xa7: {  	s4 =	sshll.u32 s25, $0x1;
	[dreg:$0x2] =	wrdreg s3  }
0xa8: {  	[dreg:$0x3] =	wrdreg s4  }
0xa9: {  	[dreg:$0x4] =	wrdreg $0xC0  }
0xaa: {  	_ =	task [dreg:s7], $0x5FFFF  }
0xab: {  	[dreg:$0x1] =	wrdreg $0xFFFFFFFF  }
0xac: {  	[dreg:$0x0] =	wrdreg $0x60  }
0xad: {  	[dreg:$0x2] =	wrdreg s0  }
0xae: {  	[dreg:$0x3] =	wrdreg s17  }
0xaf: {  	[dreg:$0x4] =	wrdreg s2  }
0xb0: {  	[dreg:$0x5] =	wrdreg $0x9  }
0xb1: {  	_ =	task.clear_ibuf [dreg:s7], $0x6FFFF;
	_ =	strace $0x90000046  }
0xb2: {  	s26 =	simm.s32 $0x9;
	_ =	strace $0x80000048  }
0xb3: {  	_ =	swait.ge [sflag:s26], $0x1  }
0xb4: {  	[sflag:s26] =	ssyncadd.s32 $0xFFFFFFFF  }
0xb5: {  	_ =	strace $0x90000048  }
0xb6: {  	_ =	sfence  }
0xb7: {  	s28 =	sld [smem:$0x0];
	_ =	sdelay $0x1  }
0xb8: {  	s29 =	srdreg.scid  }
0xb9: {  	s30 =	sshll.u32 s29, $0xD;
	s31 =	sshrl.u32 s29, $0x2  }
0xba: {  	s1 =	sand.u32 $0x1, s29;
	s2 =	sand.u32 $0x4000, s30;
	s0 =	sadd.s32 s31, s28  }
0xbb: {  	s1 =	sor.u32 s2, s1;
	s0 =	sshll.u32 s0, $0x11  }
0xbc: {  	s0 =	sor.u32 s0, s1  }
0xbd: {  	s0 =	sadd.s32 $0x8F2B, s0  }
0xbe: {  	[sflag:s0] =	ssyncadd.remote.s32 $0x1  }
0xbf: {  	_ =	sfence.sel $0xFFFF  }
0xc0: {  	[dreg:$0x0] =	wrdreg $0xFFFFFFFF;
	(pc) =	sbr.abs _section_cstart, $3  }
0xc1: {  	[dreg:$0x1] =	wrdreg $0xFFFFFFFF  }
0xc2: {  	_ =	task.clear_ibuf [dreg:s7], $0x2FFFF;
	_ =	strace $0x9FFFFFFF  }
0xc3: {  	(tm) =	ssettm $0x7FFFFFFF  }
tec
execute0_lowered:
.L_overlay_start_1:
0x0: {  	(tag) =	ssettag $0x1  }
0x1: {  	s1 =	stileid.u32  }
0x2: {  	p0 =	sgt.u32 s1, $0x7  }
.Ltmp0:
0x3: {  	s4 =	rddreg [dreg:$0x0];
	(pc) =	sbr.rel @p0 .LBB2_4-.Ltmp0, $4  }
0x4: {  	s6 =	rddreg [dreg:$0x1]  }
0x5: {  	s3 =	rddreg [dreg:$0x2];
	s7 =	simm.s32 $0x0  }
0x6: {  	[smem:$0x7FF] =	sst s7  }
0x7: {  	s0 =	rddreg [dreg:$0x3];
	_ =	strace $0x80000047  }
0x8: {  	s5 =	sshll.u32 s1, $0x8;
	s2 =	simm.s32 $0x800  }
0x9: {  	[tilespmem:s2], [sflag:$0x1] =	stream.linear.gather [hbm4b:s6+s7], $0x80, $0x38;
	[tilespmem:$0x1080] =	vst v63  }
0xa: {  	s28 =	simm.s32 $0x1;
	s4 =	sadd.s32 s4, s5  }
0xb: {  	[tilespmem:s7], [sflag:$0x2] =	stream.linear.gather [hbm4b:s4+s7], $0x800, $0x38;
	[tilespmem:$0x1080] =	vst v63  }
0xc: {  	_ =	swait.ge [sflag:s28], $0x80  }
0xd: {  	[sflag:s28] =	ssyncset.done $0x0  }
0xe: {  	s29 =	simm.s32 $0x2;
	[sflag:s28] =	ssyncadd.s32 $0xFFFFFF80  }
0xf: {  	_ =	swait.ge [sflag:s29], $0x800  }
0x10: {  	[sflag:s29] =	ssyncset.done $0x0  }
0x11: {  	s30 =	simm.s32 $0x40;
	[sflag:s29] =	ssyncadd.s32 $0xFFFFF800  }
0x12: {  	v0 =	vld [tilespmem:s30+$0xFFFFFFD0]  }
0x13: {  	v1 =	vld [tilespmem:s30+$0xFFFFFFE0]  }
0x14: {  	v2 =	vld [tilespmem:s30+$0x30]  }
0x15: {  	v3 =	vld [tilespmem:s30+$0x10]  }
0x16: {  	v4 =	vld [tilespmem:s30+$0x0]  }
0x17: {  	v5 =	vld [tilespmem:s30+$0xFFFFFFC0]  }
0x18: {  	v7 =	vld [tilespmem:s30+$0x20]  }
0x19: {  	v13 =	vld [tilespmem:s30+$0xFFFFFFF0]  }
0x1a: {  	v0 =	vmul.f32 $3.100000000e+01, v0  }
0x1b: {  	v1 =	vmul.f32 $3.100000000e+01, v1;
	v2 =	vmul.f32 $3.100000000e+01, v2  }
0x1c: {  	v4 =	vmul.f32 $3.100000000e+01, v4;
	v3 =	vmul.f32 $3.100000000e+01, v3  }
0x1d: {  	v5 =	vmul.f32 $3.100000000e+01, v5;
	v7 =	vmul.f32 $3.100000000e+01, v7  }
0x1e: {  	v13 =	vmul.f32 $3.100000000e+01, v13;
	v6 =	vtrunc.f32 v0  }
0x1f: {  	v8 =	vtrunc.f32 v1;
	v9 =	vtrunc.f32 v4  }
0x20: {  	v10 =	vtrunc.f32 v3;
	v11 =	vtrunc.f32 v2  }
0x21: {  	v17 =	vtrunc.f32 v7;
	v23 =	vtrunc.f32 v5  }
0x22: {  	v6 =	vcvt.f32.s32 v6;
	v10 =	vcvt.f32.s32 v10  }
0x23: {  	v9 =	vcvt.f32.s32 v9;
	v8 =	vcvt.f32.s32 v8  }
0x24: {  	v11 =	vcvt.f32.s32 v11;
	v23 =	vcvt.f32.s32 v23;
	v12 =	vadd.s32 $0x1, v6  }
0x25: {  	v14 =	vadd.s32 $0x1, v10;
	v16 =	vcvt.s32.f32 v10;
	v20 =	vcvt.s32.f32 v8  }
0x26: {  	v22 =	vadd.s32 $0x1, v11;
	v26 =	vadd.s32 $0x1, v9;
	vm0 =	vlt.s32 v12, $0x1F  }
0x27: {  	s31 =	simm.s32 $0xC0;
	vm1 =	vlt.s32 v22, $0x1F;
	v12 =	vnsel vm0, $0x1F, v12;
	v3 =	vsub.f32 v3, v16  }
0x28: {  	v16 =	vcvt.f32.s32 v17;
	v25 =	vsub.f32 v1, v20;
	v20 =	vnsel vm1, $0x1F, v22;
	v22 =	vld [tilespmem:s31+$0xFFFFFFD0]  }
0x29: {  	vm0 =	vlt.s32 v14, $0x1F;
	v17 =	vcvt.s32.f32 v6;
	v1 =	vtrunc.f32 v13;
	v6 =	vld.idx.msk [tilespmem:v6+s2+$0x0], $0xffff  }
0x2a: {  	v14 =	vnsel vm0, $0x1F, v14;
	v1 =	vcvt.f32.s32 v1;
	v10 =	vld.idx.msk [tilespmem:v10+s2+$0x0], $0xffff;
	v24 =	vcvt.s32.f32 v16  }
0x2b: {  	v15 =	vcvt.s32.f32 v9;
	v27 =	vcvt.s32.f32 v11;
	vm1 =	vlt.s32 v26, $0x1F;
	v11 =	vld.idx.msk [tilespmem:v11+s2+$0x0], $0xffff  }
0x2c: {  	v17 =	vsub.f32 v0, v17;
	v30 =	vcvt.s32.f32 v1;
	v0 =	vsub.f32 v7, v24;
	v7 =	vld [tilespmem:s31+$0xFFFFFFE0]  }
0x2d: {  	v18 =	vadd.s32 $0x1, v8;
	v26 =	vnsel vm1, $0x1F, v26;
	v21 =	vadd.s32 $0x1, v16;
	v12 =	vld.idx.msk [tilespmem:v12+s2+$0x0], $0xffff  }
0x2e: {  	v19 =	vsub.f32 $1.000000000e+00, v3;
	vm0 =	vlt.s32 v21, $0x1F;
	v30 =	vsub.f32 v13, v30;
	v13 =	vld.idx.msk [tilespmem:v8+s2+$0x0], $0xffff  }
0x2f: {  	v28 =	vadd.s32 $0x1, v1;
	v21 =	vnsel vm0, $0x1F, v21;
	v29 =	vsub.f32 $1.000000000e+00, v17;
	v14 =	vld.idx.msk [tilespmem:v14+s2+$0x0], $0xffff  }
0x30: {  	vm0 =	vlt.s32 v28, $0x1F;
	v38 =	vmul.f32 $3.100000000e+01, v22;
	v8 =	vsub.f32 $1.000000000e+00, v0;
	v1 =	vld.idx.msk [tilespmem:v1+s2+$0x0], $0xffff  }
0x31: {  	v16 =	vld.idx.msk [tilespmem:v16+s2+$0x0], $0xffff;
	v10 =	vmul.f32 v19, v10;
	v19 =	vsub.f32 v2, v27;
	v6 =	vmul.f32 v29, v6  }
0x32: {  	v27 =	vnsel vm0, $0x1F, v28;
	vm0 =	vlt.s32 v18, $0x1F;
	v28 =	vsub.f32 $1.000000000e+00, v30;
	v29 =	vld [tilespmem:s31+$0xFFFFFFC0]  }
0x33: {  	v2 =	vld [tilespmem:s31+$0x30];
	v32 =	vmul.f32 $3.100000000e+01, v7;
	v7 =	vsub.f32 v4, v15;
	v4 =	vcvt.s32.f32 v23  }
0x34: {  	v18 =	vnsel vm0, $0x1F, v18;
	v12 =	vmul.f32 v17, v12;
	v17 =	vld [tilespmem:s31+$0x0];
	v3 =	vmul.f32 v3, v14  }
0x35: {  	v24 =	vsub.f32 $1.000000000e+00, v25;
	v14 =	vld [tilespmem:s31+$0x10];
	v31 =	vtrunc.f32 v32;
	v15 =	vmul.f32 v28, v1  }
0x36: {  	v22 =	vadd.f32 v10, v3;
	v3 =	vmul.f32 v8, v16;
	v8 =	vsub.f32 $1.000000000e+00, v19  }
0x37: {  	v5 =	vsub.f32 v5, v4;
	v1 =	vmul.f32 $3.100000000e+01, v29;
	v16 =	vtrunc.f32 v38  }
0x38: {  	v37 =	vadd.f32 v6, v12;
	v10 =	vmul.f32 v8, v11;
	v8 =	vmul.f32 $3.100000000e+01, v2  }
0x39: {  	v28 =	vadd.s32 $0x1, v23;
	v29 =	vld.idx.msk [tilespmem:v18+s2+$0x0], $0xffff;
	v11 =	vmul.f32 v24, v13;
	v2 =	vmul.f32 $3.100000000e+01, v17  }
0x3a: {  	v36 =	vld [tilespmem:s31+$0xFFFFFFF0];
	vm0 =	vlt.s32 v28, $0x1F;
	v24 =	vcvt.f32.s32 v16;
	v33 =	vmul.f32 $3.100000000e+01, v14  }
0x3b: {  	v42 =	vnsel vm0, $0x1F, v28;
	v13 =	vld [tilespmem:s31+$0x20];
	v4 =	vtrunc.f32 v2;
	v17 =	vtrunc.f32 v8  }
0x3c: {  	v16 =	vsub.f32 $1.000000000e+00, v7;
	v43 =	vcvt.s32.f32 v24;
	v12 =	vtrunc.f32 v33  }
0x3d: {  	v14 =	vld.idx.msk [tilespmem:v20+s2+$0x0], $0xffff;
	v6 =	vadd.s32 $0x1, v24;
	v4 =	vcvt.f32.s32 v4;
	v20 =	vcvt.f32.s32 v17  }
0x3e: {  	v28 =	vld.idx.msk [tilespmem:v9+s2+$0x0], $0xffff;
	vm1 =	vlt.s32 v6, $0x1F;
	v17 =	vcvt.f32.s32 v31;
	v9 =	vmul.f32 v25, v29  }
0x3f: {  	v25 =	vmul.f32 $3.100000000e+01, v36;
	v34 =	vcvt.f32.s32 v12;
	v12 =	vsub.f32 $1.000000000e+00, v5  }
0x40: {  	v27 =	vld.idx.msk [tilespmem:v27+s2+$0x0], $0xffff;
	v40 =	vnsel vm1, $0x1F, v6;
	v39 =	vmul.f32 $3.100000000e+01, v13;
	v6 =	vcvt.s32.f32 v4  }
0x41: {  	v31 =	vld.idx.msk [tilespmem:v21+s2+$0x0], $0xffff;
	v11 =	vadd.f32 v11, v9;
	v9 =	vcvt.s32.f32 v17;
	v18 =	vadd.s32 $0x1, v34  }
0x42: {  	v13 =	vld.idx.msk [tilespmem:v23+s2+$0x0], $0xffff;
	v36 =	vadd.s32 $0x1, v20;
	v35 =	vcvt.s32.f32 v34;
	vm1 =	vlt.s32 v18, $0x1F  }
0x43: {  	s4 =	simm.s32 $0x8C0;
	v23 =	vmul.f32 v19, v14;
	v14 =	vld.idx.msk [tilespmem:v26+s2+$0x0], $0xffff;
	v26 =	vtrunc.f32 v39;
	v41 =	vnsel vm1, $0x1F, v18  }
0x44: {  	[tilespmem:s4+$0xFFFFFFD0] =	vst v37;
	v21 =	vld.idx.msk [tilespmem:v42+s2+$0x0], $0xffff;
	v37 =	vtrunc.f32 v25;
	v19 =	vadd.s32 $0x1, v17;
	v29 =	vcvt.f32.s32 v26  }
0x45: {  	v24 =	vld.idx.msk [tilespmem:v24+s2+$0x0], $0xffff;
	vm0 =	vlt.s32 v36, $0x1F;
	v9 =	vsub.f32 v32, v9;
	v18 =	vsub.f32 v33, v35  }
0x46: {  	v35 =	vmul.f32 v30, v27;
	v33 =	vld.idx.msk [tilespmem:v34+s2+$0x0], $0xffff;
	v44 =	vadd.s32 $0x1, v29;
	v27 =	vcvt.s32.f32 v29  }
0x47: {  	s8 =	simm.s32 $0x140;
	s3 =	sadd.s32 s3, s5;
	[tilespmem:s4+$0x10] =	vst v22;
	v26 =	vtrunc.f32 v1;
	v30 =	vsub.f32 v38, v43;
	v22 =	vld.idx.msk [tilespmem:v40+s2+$0x0], $0xffff;
	vm1 =	vlt.s32 v44, $0x1F  }
0x48: {  	s6 =	simm.s32 $0x8;
	s5 =	simm.s32 $0x940;
	s7 =	simm.s32 $0x940;
	[tilespmem:s4+$0xFFFFFFE0] =	vst v11;
	v34 =	vsub.f32 $1.000000000e+00, v18;
	v27 =	vsub.f32 v39, v27;
	v11 =	vnsel vm1, $0x1F, v44;
	v32 =	vld.idx.msk [tilespmem:v41+s2+$0x0], $0xffff  }
.LBB2_2:
0x49: {  	v38 =	vld [tilespmem:s8+$0xFFFFFFE0];
	s6 =	sadd.s32 $0x8, s6;
	v37 =	vcvt.f32.s32 v37;
	v36 =	vnsel vm0, $0x1F, v36;
	s7 =	sadd.s32 $0x80, s7;
	v15 =	vadd.f32 v15, v35  }
0x4a: {  	v39 =	vsub.f32 $1.000000000e+00, v9;
	v40 =	vadd.s32 $0x1, v4;
	v41 =	vcvt.s32.f32 v20;
	v35 =	vld [tilespmem:s8+$0xFFFFFFD0];
	p0 =	slt.u32 s6, $0x78  }
0x4b: {  	v33 =	vmul.f32 v34, v33;
	v16 =	vmul.f32 v16, v28;
	v42 =	vadd.s32 $0x1, v37;
	v20 =	vld.idx.msk [tilespmem:v20+s2+$0x0], $0xffff  }
0x4c: {  	v10 =	vadd.f32 v10, v23;
	v34 =	vsub.f32 $1.000000000e+00, v30;
	v28 =	vld [tilespmem:s8+$0x30];
	vm0 =	vlt.s32 v42, $0x1F  }
0x4d: {  	v23 =	vcvt.s32.f32 v37;
	v41 =	vsub.f32 v8, v41;
	v8 =	vmul.f32 v0, v31;
	v0 =	vmovc v27;
	v29 =	vld.idx.msk [tilespmem:v29+s2+$0x0], $0xffff  }
0x4e: {  	v7 =	vmul.f32 v7, v14;
	v24 =	vmul.f32 v34, v24;
	v31 =	vnsel vm0, $0x1F, v42;
	v27 =	vld [tilespmem:s8+$0x10];
	[tilespmem:s4+$0x30] =	vst v10  }
0x4f: {  	v12 =	vmul.f32 v12, v13;
	v25 =	vsub.f32 v25, v23;
	v10 =	vmul.f32 v18, v32  }
0x50: {  	vm1 =	vlt.s32 v19, $0x1F;
	v14 =	vsub.f32 $1.000000000e+00, v0;
	vm0 =	vlt.s32 v40, $0x1F;
	v13 =	vld.idx.msk [tilespmem:v17+s2+$0x0], $0xffff  }
0x51: {  	v8 =	vadd.f32 v3, v8;
	v18 =	vmul.f32 v30, v22;
	v10 =	vadd.f32 v33, v10;
	v17 =	vld [tilespmem:s8+$0x0]  }
0x52: {  	v19 =	vnsel vm1, $0x1F, v19;
	v30 =	vmul.f32 $3.100000000e+01, v35;
	v23 =	vsub.f32 $1.000000000e+00, v25;
	v22 =	vld.idx.msk [tilespmem:v37+s2+$0x0], $0xffff  }
0x53: {  	v5 =	vmul.f32 v5, v21;
	v3 =	vmul.f32 v14, v29;
	v14 =	vsub.f32 $1.000000000e+00, v41;
	v32 =	vld [tilespmem:s8+$0xFFFFFFC0];
	[tilespmem:s4+$0x20] =	vst v8  }
0x54: {  	v26 =	vcvt.f32.s32 v26;
	v21 =	vtrunc.f32 v30;
	v29 =	vld.idx.msk [tilespmem:v36+s2+$0x0], $0xffff;
	[tilespmem:s4+$0xFFFFFFF0] =	vst v15;
	v15 =	vadd.f32 v16, v7  }
0x55: {  	v5 =	vadd.f32 v12, v5;
	v37 =	vmul.f32 $3.100000000e+01, v38;
	[tilespmem:s5+$0x10] =	vst v10;
	v10 =	vmul.f32 v14, v20  }
0x56: {  	v8 =	vmul.f32 $3.100000000e+01, v28;
	v7 =	vsub.f32 v2, v6;
	v36 =	vmul.f32 v39, v13;
	v31 =	vld.idx.msk [tilespmem:v31+s2+$0x0], $0xffff;
	[tilespmem:s4+$0x0] =	vst v15  }
0x57: {  	v21 =	vcvt.f32.s32 v21;
	v6 =	vcvt.s32.f32 v26;
	v14 =	vnsel vm0, $0x1F, v40;
	[tilespmem:s4+$0xFFFFFFC0] =	vst v5;
	s4 =	smov.u32 s5;
	s5 =	smov.u32 s7  }
0x58: {  	v12 =	vadd.f32 v24, v18;
	v28 =	vtrunc.f32 v37;
	v2 =	vmul.f32 $3.100000000e+01, v17;
	v17 =	vld [tilespmem:s8+$0x20]  }
0x59: {  	v18 =	vmul.f32 $3.100000000e+01, v27;
	v5 =	vsub.f32 v1, v6;
	v15 =	vmul.f32 v23, v22  }
0x5a: {  	v22 =	vadd.s32 $0x1, v26;
	v1 =	vmul.f32 $3.100000000e+01, v32;
	v6 =	vtrunc.f32 v2;
	[tilespmem:s4+$0xFFFFFFD0] =	vst v12;
	v19 =	vld.idx.msk [tilespmem:v19+s2+$0x0], $0xffff  }
0x5b: {  	v20 =	vtrunc.f32 v8;
	v23 =	vadd.s32 $0x1, v21;
	v12 =	vtrunc.f32 v18;
	v13 =	vld.idx.msk [tilespmem:v26+s2+$0x0], $0xffff  }
0x5c: {  	v16 =	vsub.f32 $1.000000000e+00, v7;
	v26 =	vcvt.f32.s32 v12;
	v12 =	vsub.f32 $1.000000000e+00, v5;
	v14 =	vld.idx.msk [tilespmem:v14+s2+$0x0], $0xffff  }
0x5d: {  	vm0 =	vlt.s32 v22, $0x1F;
	v24 =	vcvt.f32.s32 v6;
	v27 =	vmul.f32 $3.100000000e+01, v17  }
0x5e: {  	v20 =	vcvt.f32.s32 v20;
	vm1 =	vlt.s32 v23, $0x1F;
	v17 =	vadd.s32 $0x1, v26  }
0x5f: {  	v32 =	vnsel vm1, $0x1F, v23;
	v6 =	vcvt.s32.f32 v24;
	vm1 =	vlt.s32 v17, $0x1F;
	v34 =	vld [tilespmem:s8+$0xFFFFFFF0]  }
0x60: {  	v23 =	vmul.f32 v41, v29;
	v33 =	vcvt.s32.f32 v26;
	v38 =	vnsel vm1, $0x1F, v17  }
0x61: {  	v39 =	vnsel vm0, $0x1F, v22;
	v17 =	vcvt.f32.s32 v28;
	v29 =	vtrunc.f32 v27;
	v28 =	vld.idx.msk [tilespmem:v4+s2+$0x0], $0xffff;
	v4 =	vmovc v24  }
0x62: {  	v40 =	vcvt.s32.f32 v21;
	v18 =	vsub.f32 v18, v33;
	v9 =	vmul.f32 v9, v19;
	v24 =	vld.idx.msk [tilespmem:v21+s2+$0x0], $0xffff  }
0x63: {  	v35 =	vmul.f32 v25, v31;
	v29 =	vcvt.f32.s32 v29;
	v19 =	vadd.s32 $0x1, v17;
	v33 =	vld.idx.msk [tilespmem:v26+s2+$0x0], $0xffff  }
.Ltmp1:
0x64: {  	v41 =	vadd.f32 v36, v9;
	v25 =	vmul.f32 $3.100000000e+01, v34;
	v34 =	vsub.f32 $1.000000000e+00, v18;
	v31 =	vld.idx.msk [tilespmem:v11+s2+$0x0], $0xffff;
	(pc) =	sbr.rel @p0 .LBB2_2-.Ltmp1, $4  }
0x65: {  	v9 =	vcvt.s32.f32 v17;
	v36 =	vadd.s32 $0x1, v20;
	v11 =	vadd.s32 $0x1, v29;
	v22 =	vld.idx.msk [tilespmem:v32+s2+$0x0], $0xffff  }
0x66: {  	v42 =	vcvt.s32.f32 v29;
	v26 =	vtrunc.f32 v1;
	vm1 =	vlt.s32 v11, $0x1F;
	v21 =	vld.idx.msk [tilespmem:v39+s2+$0x0], $0xffff  }
0x67: {  	vm0 =	vlt.s32 v36, $0x1F;
	v9 =	vsub.f32 v37, v9;
	v37 =	vtrunc.f32 v25;
	v32 =	vld.idx.msk [tilespmem:v38+s2+$0x0], $0xffff;
	[tilespmem:s4+$0xFFFFFFE0] =	vst v41  }
0x68: {  	v30 =	vsub.f32 v30, v40;
	s8 =	sadd.s32 $0x80, s8;
	v27 =	vsub.f32 v27, v42;
	v11 =	vnsel vm1, $0x1F, v11  }
0x69: {  	v37 =	vcvt.f32.s32 v37  }
0x6a: {  	v36 =	vnsel vm0, $0x1F, v36;
	v15 =	vadd.f32 v15, v35;
	v38 =	vcvt.s32.f32 v20  }
0x6b: {  	v57 =	vadd.s32 $0x1, v4;
	v33 =	vmul.f32 v34, v33;
	v16 =	vmul.f32 v16, v28  }
0x6c: {  	vm13 =	vlt.s32 v19, $0x1F;
	v10 =	vadd.f32 v10, v23;
	v26 =	vcvt.f32.s32 v26  }
0x6d: {  	v58 =	vld.idx.msk [tilespmem:v20+s2+$0x0], $0xffff;
	v0 =	vmul.f32 v0, v31;
	v7 =	vmul.f32 v7, v14;
	v46 =	vsub.f32 $1.000000000e+00, v9  }
0x6e: {  	v61 =	vld.idx.msk [tilespmem:v29+s2+$0x0], $0xffff;
	v12 =	vmul.f32 v12, v13;
	v2 =	vsub.f32 v2, v6;
	v59 =	vsub.f32 $1.000000000e+00, v30  }
0x6f: {  	v17 =	vld.idx.msk [tilespmem:v17+s2+$0x0], $0xffff;
	v19 =	vnsel vm13, $0x1F, v19;
	vm14 =	vlt.s32 v57, $0x1F;
	v39 =	vadd.s32 $0x1, v37  }
0x70: {  	v47 =	vld.idx.msk [tilespmem:v11+s2+$0x0], $0xffff;
	v8 =	vsub.f32 v8, v38;
	v38 =	vadd.s32 $0x1, v26;
	vm12 =	vlt.s32 v39, $0x1F  }
0x71: {  	v53 =	vld.idx.msk [tilespmem:v4+s2+$0x0], $0xffff;
	v40 =	vsub.f32 $1.000000000e+00, v27;
	vm15 =	vlt.s32 v38, $0x1F;
	v60 =	vnsel vm12, $0x1F, v39  }
0x72: {  	v43 =	vmul.f32 v30, v22;
	v62 =	vcvt.s32.f32 v37;
	v42 =	vnsel vm15, $0x1F, v38;
	v36 =	vld.idx.msk [tilespmem:v36+s2+$0x0], $0xffff  }
0x73: {  	v0 =	vadd.f32 v3, v0;
	v5 =	vmul.f32 v5, v21;
	v63 =	vld.idx.msk [tilespmem:v37+s2+$0x0], $0xffff;
	v37 =	vnsel vm14, $0x1F, v57  }
0x74: {  	[tilespmem:s4+$0x30] =	vst v10;
	v7 =	vadd.f32 v16, v7;
	v52 =	vcvt.s32.f32 v26;
	v24 =	vmul.f32 v59, v24;
	v41 =	vld.idx.msk [tilespmem:v19+s2+$0x0], $0xffff  }
0x75: {  	[tilespmem:s4+$0xFFFFFFF0] =	vst v15;
	v18 =	vmul.f32 v18, v32;
	v25 =	vsub.f32 v25, v62;
	v44 =	vsub.f32 $1.000000000e+00, v8;
	v45 =	vld.idx.msk [tilespmem:v26+s2+$0x0], $0xffff  }
0x76: {  	[tilespmem:s4+$0x20] =	vst v0;
	v5 =	vadd.f32 v12, v5;
	v1 =	vsub.f32 v1, v52;
	v39 =	vld.idx.msk [tilespmem:v60+s2+$0x0], $0xffff  }
0x77: {  	v18 =	vadd.f32 v33, v18;
	v23 =	vmul.f32 v40, v61;
	v51 =	vmul.f32 v46, v17;
	v55 =	vld.idx.msk [tilespmem:v42+s2+$0x0], $0xffff  }
0x78: {  	[tilespmem:s4+$0x0] =	vst v7;
	v54 =	vadd.f32 v24, v43;
	v0 =	vmul.f32 v27, v47;
	v48 =	vsub.f32 $1.000000000e+00, v25;
	v50 =	vld.idx.msk [tilespmem:v37+s2+$0x0], $0xffff  }
0x79: {  	v49 =	vmul.f32 v44, v58;
	[tilespmem:s4+$0xFFFFFFC0] =	vst v5;
	v57 =	vsub.f32 $1.000000000e+00, v2;
	v8 =	vmul.f32 v8, v36  }
0x7a: {  	v58 =	vsub.f32 $1.000000000e+00, v1;
	[tilespmem:s5+$0x10] =	vst v18;
	v0 =	vadd.f32 v23, v0;
	v3 =	vmul.f32 v9, v41  }
0x7b: {  	[tilespmem:s5+$0xFFFFFFD0] =	vst v54;
	v56 =	vmul.f32 v48, v63;
	v8 =	vadd.f32 v49, v8;
	v59 =	vmul.f32 v25, v39  }
0x7c: {  	[tilespmem:s5+$0x20] =	vst v0;
	v62 =	vmul.f32 v58, v45;
	v3 =	vadd.f32 v51, v3;
	v1 =	vmul.f32 v1, v55  }
0x7d: {  	v60 =	vmul.f32 v57, v53;
	[tilespmem:s5+$0x30] =	vst v8;
	v2 =	vmul.f32 v2, v50;
	v61 =	vadd.f32 v56, v59  }
0x7e: {  	[tilespmem:s5+$0xFFFFFFE0] =	vst v3;
	v1 =	vadd.f32 v62, v1  }
0x7f: {  	v63 =	vadd.f32 v60, v2;
	[tilespmem:s5+$0xFFFFFFF0] =	vst v61  }
0x80: {  	[tilespmem:s5+$0xFFFFFFC0] =	vst v1  }
0x81: {  	s29 =	simm.s32 $0x0;
	s30 =	simm.s32 $0x880;
	s31 =	simm.s32 $0x3;
	[tilespmem:s5+$0x0] =	vst v63  }
0x82: {  	[hbm4b:s3+s29] =	stream.linear.scatter [tilespmem:s30], [sflag:$0x3], $0x800, $0x38;
	[tilespmem:$0x1080] =	vst v63  }
0x83: {  	_ =	swait.ge [sflag:s31], $0x800  }
0x84: {  	[sflag:s31] =	ssyncset.done $0x0  }
0x85: {  	[sflag:s31] =	ssyncadd.s32 $0xFFFFF800  }
.LBB2_4:
0x86: {  	_ =	sfence.sel $0x180000  }
0x87: {  	[bflag:$0x0] =	sbarrier.arrive $0xFFFF  }
0x88: {  	p0 =	sne.s32 s1, $0x0;
	_ =	strace $0x90000047  }
0x89: {  	s0 =	sadd.s32 @!p0 $0x100000, s0;
	[bflag:$0x2] =	sbarrier.arrive $0xFFFF  }
0x8a: {  	[sflag:s0] =	ssyncadd.tile.s32 @!p0 $0x1;
	_ =	shalt  }
.Lfunc_end2:
_tile_overlayer_lowered:
.L_overlay_start_2:
0x8b: {  	(tag) =	ssettag $0x2  }
0x8c: {  	s0 =	rddreg [dreg:$0x0];
	s2 =	stileid.u32  }
0x8d: {  	s1 =	rddreg [dreg:$0x1];
	p0 =	sne.s32 s2, $0x0  }
0x8e: {  	s3 =	rddreg [dreg:$0x2];
	[bflag:$0x3] =	sbarrier.arrive $0xFFFF;
	s2 =	simm.s32 @!p0 $0x1C03  }
0x8f: {  	[timem:s3], [sflag:s2] =	dma.local @!p0 [hbm:s0], s1  }
0x90: {  	s0 =	simm.s32 @!p0 $0x3  }
0x91: {  	_ =	swait.ge @!p0 [sflag:s0], s1  }
0x92: {  	s1 =	ssub.s32 @!p0 $0x0, s1;
	[sflag:s0] =	ssyncset.done @!p0 $0x0  }
0x93: {  	[sflag:s0] =	ssyncadd.s32 @!p0 s1  }
0x94: {  	[bflag:$0x3] =	sbarrier.arrive $0xFFFF  }
0x95: {  	_ =	shalt  }

</sc_bundles>
